<compile_context>
chip_gen: v7x
topology: tpu7x:2x2x1
jax: 0.10.2.dev20260603
libtpu: 0.0.44.dev20260713+nightly
codegen_flags: <defaults>
</compile_context>

<pallas_src>
import functools

import jax
import jax.numpy as jnp
from jax import lax
from jax.experimental import pallas as pl
from jax.experimental.pallas import tpu as pltpu
from jax.experimental.pallas import tpu_sc as plsc

N_E = 8192
E_DIM = 256
BETA = 0.25
B_TOK = 4096

T_TILE = 512
K_TILE = 2048
T_GRID = B_TOK // T_TILE
K_GRID = N_E // K_TILE

E_TILE = 256
E_GRID = B_TOK // E_TILE

C_TILE = 512
C_GRID = B_TOK // C_TILE

_SC_CORES = 2
_SC_SUBCORES = 16
_SC_WORKERS = _SC_CORES * _SC_SUBCORES
_SC_BPW = B_TOK // _SC_WORKERS


def _argmin_body(zf_ref, w_ref, zsq_ref, wsq_ref, idx_ref, minv_ref):
    k = pl.program_id(1)

    @pl.when(k == 0)
    def _():
        minv_ref[...] = jnp.full((T_TILE, 1), jnp.inf, jnp.float32)
        idx_ref[...] = jnp.zeros((T_TILE, 1), jnp.int32)

    zb = zf_ref[...].astype(jnp.bfloat16)
    wt = w_ref[pl.ds(k * K_TILE, K_TILE), :]
    zsq = zsq_ref[...]
    wsq = wsq_ref[:, pl.ds(k * K_TILE, K_TILE)]

    s = jax.lax.dot_general(zb, wt, (((1,), (1,)), ((), ())),
                            preferred_element_type=jnp.float32)
    d = (zsq + wsq) + s * (-2.0)

    m = jnp.min(d, axis=1, keepdims=True)
    gidx = lax.broadcasted_iota(jnp.int32, (1, K_TILE), 1).astype(jnp.float32)
    lidx = jnp.min(jnp.where(d == m, gidx, jnp.inf),
                   axis=1, keepdims=True)
    better = m < minv_ref[...]
    idx_ref[...] = jnp.where(better, lidx.astype(jnp.int32) + k * K_TILE,
                             idx_ref[...])
    minv_ref[...] = jnp.where(better, m, minv_ref[...])


def _onehot_body(idx_ref, enc_ref, perp_ref, hist_ref):
    t = pl.program_id(0)
    idx_col = idx_ref[...]
    ii = lax.broadcasted_iota(jnp.int32, (E_TILE, N_E), 1)
    onehot = jnp.where(ii == idx_col, 1.0, 0.0).astype(jnp.float32)
    enc_ref[...] = onehot
    h = jnp.sum(onehot, axis=0, keepdims=True)

    @pl.when(t == 0)
    def _():
        hist_ref[...] = h

    @pl.when(t > 0)
    def _():
        hist_ref[...] += h

    @pl.when(t == E_GRID - 1)
    def _():
        avg = hist_ref[...] / B_TOK
        ent = jnp.sum(avg * jnp.log(avg + 1e-10))
        perp_ref[0, 0] = jnp.exp(-ent)


def _out_body(zt_ref, zq_ref, out_ref, loss_ref, acc_ref):
    t = pl.program_id(0)

    @pl.when(t == 0)
    def _():
        acc_ref[0] = 0.0

    zt = zt_ref[...]
    diff = zq_ref[...] - zt
    out_ref[...] = zt + diff
    acc_ref[0] += jnp.sum(diff * diff)

    @pl.when(t == C_GRID - 1)
    def _():
        loss_ref[0, 0] = BETA * acc_ref[0] / (B_TOK * E_DIM)


def _sc_gather_body(w_hbm, idx_hbm, out_hbm, idx_v, rows_v, sem):
    wid = lax.axis_index("s") * _SC_CORES + lax.axis_index("c")
    base = wid * _SC_BPW
    pltpu.sync_copy(idx_hbm.at[pl.ds(base, _SC_BPW)], idx_v)
    pltpu.async_copy(w_hbm.at[idx_v], rows_v, sem).wait()
    pltpu.sync_copy(rows_v, out_hbm.at[pl.ds(base, _SC_BPW)])


def _sc_gather(w, idx):
    k = pl.kernel(
        _sc_gather_body,
        mesh=plsc.VectorSubcoreMesh(core_axis_name="c", subcore_axis_name="s"),
        out_type=jax.ShapeDtypeStruct((B_TOK, E_DIM), jnp.float32),
        scratch_types=[
            pltpu.VMEM((_SC_BPW,), jnp.int32),
            pltpu.VMEM((_SC_BPW, E_DIM), jnp.float32),
            pltpu.SemaphoreType.DMA,
        ],
    )
    return k(w, idx)


@jax.jit
def kernel(z, weight):
    zt = jnp.transpose(z, (0, 2, 3, 4, 1))
    zf = zt.reshape(B_TOK, E_DIM).astype(jnp.float32)
    w = weight.astype(jnp.float32)

    wb = w.astype(jnp.bfloat16)
    zsq = jnp.sum(zf ** 2, axis=1, keepdims=True)
    wsq = jnp.sum(w ** 2, axis=1).reshape(1, N_E)

    idx2 = pl.pallas_call(
        _argmin_body,
        grid=(T_GRID, K_GRID),
        in_specs=[
            pl.BlockSpec((T_TILE, E_DIM), lambda t, k: (t, 0)),
            pl.BlockSpec((N_E, E_DIM), lambda t, k: (0, 0)),
            pl.BlockSpec((T_TILE, 1), lambda t, k: (t, 0)),
            pl.BlockSpec((1, N_E), lambda t, k: (0, 0)),
        ],
        out_specs=pl.BlockSpec((T_TILE, 1), lambda t, k: (t, 0)),
        out_shape=jax.ShapeDtypeStruct((B_TOK, 1), jnp.int32),
        scratch_shapes=[pltpu.VMEM((T_TILE, 1), jnp.float32)],
    )(zf, wb, zsq, wsq)

    idx_flat = idx2.reshape(B_TOK)
    zq = _sc_gather(w, idx_flat)

    enc, perp = pl.pallas_call(
        _onehot_body,
        grid=(E_GRID,),
        in_specs=[pl.BlockSpec((E_TILE, 1), lambda t: (t, 0))],
        out_specs=[
            pl.BlockSpec((E_TILE, N_E), lambda t: (t, 0)),
            pl.BlockSpec((1, 1), lambda t: (0, 0), memory_space=pltpu.SMEM),
        ],
        out_shape=[
            jax.ShapeDtypeStruct((B_TOK, N_E), jnp.float32),
            jax.ShapeDtypeStruct((1, 1), jnp.float32),
        ],
        scratch_shapes=[pltpu.VMEM((1, N_E), jnp.float32)],
    )(idx2)

    out_flat, loss = pl.pallas_call(
        _out_body,
        grid=(C_GRID,),
        in_specs=[
            pl.BlockSpec((C_TILE, E_DIM), lambda t: (t, 0)),
            pl.BlockSpec((C_TILE, E_DIM), lambda t: (t, 0)),
        ],
        out_specs=[
            pl.BlockSpec((C_TILE, E_DIM), lambda t: (t, 0)),
            pl.BlockSpec((1, 1), lambda t: (0, 0), memory_space=pltpu.SMEM),
        ],
        out_shape=[
            jax.ShapeDtypeStruct((B_TOK, E_DIM), jnp.float32),
            jax.ShapeDtypeStruct((1, 1), jnp.float32),
        ],
        scratch_shapes=[pltpu.SMEM((1,), jnp.float32)],
    )(zf, zq)

    out = jnp.transpose(out_flat.reshape(zt.shape), (0, 4, 1, 2, 3))
    return (out, loss.reshape(()), perp.reshape(()), enc,
            idx_flat)

# --- scband reference (transcript-rebuilt; emitter-appended) ---
"""Pipeline reference for scband-my-vqmodel-87342454931977 (READ-ONLY COPY).

The authoritative reference and input builder live on the scoring server;
editing this copy changes nothing except your own understanding.
"""

import jax, jax.numpy as jnp
import numpy as np

N_E = 8192
E_DIM = 256
BETA = 0.25

def setup_inputs(seed: int = 0) -> dict:
    key = jax.random.key(seed)
    k1, k2 = jax.random.split(key)
    z = jax.random.normal(k1, (2, E_DIM, 8, 16, 16), dtype=jnp.float32)
    weight = jax.random.normal(k2, (N_E, E_DIM), dtype=jnp.float32)
    return {"z": z, "weight": weight}

def reference(z, weight):
    # b c d h w -> b d h w c
    zt = jnp.transpose(z, (0, 2, 3, 4, 1))
    z_flattened = zt.reshape(-1, E_DIM).astype(jnp.float32)
    w = weight.astype(jnp.float32)
    # l2 distance: ||z||^2 + ||w||^2 - 2 z.w
    d = (jnp.sum(z_flattened ** 2, axis=1, keepdims=True)
         + jnp.sum(w ** 2, axis=1)
         - 2.0 * jnp.einsum('bd,nd->bn', z_flattened, w))
    encoding_indices = jnp.argmin(d, axis=1)
    z_q = jnp.take(w, encoding_indices, axis=0).reshape(zt.shape)
    encodings = jax.nn.one_hot(encoding_indices, N_E, dtype=zt.dtype)
    avg_probs = jnp.mean(encodings, axis=0)
    perplexity = jnp.exp(-jnp.sum(avg_probs * jnp.log(avg_probs + 1e-10)))
    loss = BETA * jnp.mean((jax.lax.stop_gradient(z_q) - zt) ** 2)
    # straight-through
    z_q_st = zt + jax.lax.stop_gradient(z_q - zt)
    out = jnp.transpose(z_q_st, (0, 4, 1, 2, 3))
    return (out, loss, perplexity, encodings, encoding_indices)

if __name__ == "__main__":
    import jax
    _d = setup_inputs()
    print(jax.jit(kernel)(*tuple(_d.values())))

</pallas_src>

<mosaic_0001>
#map = affine_map<(d0, d1) -> (0, 0)>
#map1 = affine_map<(d0, d1) -> (0)>
module attributes {stable_mosaic.version = 14 : i64} {
  func.func @_sc_gather_body(%arg0: i32, %arg1: i32, %arg2: memref<8192x256xf32, #tpu.memory_space<hbm>>, %arg3: memref<4096xi32, #tpu.memory_space<hbm>>, %arg4: memref<4096x256xf32, #tpu.memory_space<hbm>>, %arg5: memref<128xi32, #tpu.memory_space<vmem>>, %arg6: memref<128x256xf32, #tpu.memory_space<vmem>>, %arg7: memref<!tpu.dma_semaphore, #tpu.memory_space<semaphore_mem>>) attributes {dimension_semantics = [#tpu.dimension_semantics<core_parallel>, #tpu.dimension_semantics<subcore_parallel>], iteration_bounds = array<i64: 2, 16>, scalar_prefetch = 0 : i64, scratch_operands = 3 : i64, tpu.core_type = #tpu.core_type<sc_vector_subcore>, window_params = [{transform_indices = #map}, {transform_indices = #map1}, {transform_indices = #map}]} {
    %mul3A = arith.constant 2 : i32
    %mul3A_0 = arith.muli %arg1, %mul3A : i32
    %add3A = arith.addi %mul3A_0, %arg0 : i32
    %mul3A_1 = arith.constant 128 : i32
    %mul3A_2 = arith.muli %add3A, %mul3A_1 : i32
    "tpu.region"() ({
      %run_scoped3A = tpu.sem_alloc : memref<!tpu.dma_semaphore, #tpu.memory_space<semaphore_mem>>
      %dma_start3A_7 = tpu.memref_slice %arg3[%mul3A_2] : memref<4096xi32, #tpu.memory_space<hbm>> -> memref<128xi32, #tpu.memory_space<hbm>>
      %dma_start3A_8 = tpu.memref_slice %arg3[%mul3A_2] : memref<4096xi32, #tpu.memory_space<hbm>> -> memref<128xi32, #tpu.memory_space<hbm>>
      tpu.enqueue_dma source(%dma_start3A_8 : memref<128xi32, #tpu.memory_space<hbm>>) target(%arg5 : memref<128xi32, #tpu.memory_space<vmem>>) target_semaphore(%run_scoped3A : memref<!tpu.dma_semaphore, #tpu.memory_space<semaphore_mem>>)
      %dma_wait3A_9 = tpu.memref_slice %arg3[%mul3A_2] : memref<4096xi32, #tpu.memory_space<hbm>> -> memref<128xi32, #tpu.memory_space<hbm>>
      %dma_wait3A_10 = tpu.memref_slice %arg3[%mul3A_2] : memref<4096xi32, #tpu.memory_space<hbm>> -> memref<128xi32, #tpu.memory_space<hbm>>
      tpu.wait_dma2 semaphore(%run_scoped3A : memref<!tpu.dma_semaphore, #tpu.memory_space<semaphore_mem>>) src(%dma_wait3A_10 : memref<128xi32, #tpu.memory_space<hbm>>) dst(%arg5 : memref<128xi32, #tpu.memory_space<vmem>>)
      tpu.yield
    }) : () -> ()
    %dma_start3A = arith.constant 0 : i32
    %dma_start3A_3 = arith.constant 0 : i32
    %dma_start3A_4 = tpu.memref_slice %arg2[%dma_start3A, %dma_start3A_3] : memref<8192x256xf32, #tpu.memory_space<hbm>> -> memref<8192x256xf32, #tpu.memory_space<hbm>>
    tpu.enqueue_indirect_dma source(%dma_start3A_4 : memref<8192x256xf32, #tpu.memory_space<hbm>>) target(%arg6 : memref<128x256xf32, #tpu.memory_space<vmem>>) offsets(%arg5 : memref<128xi32, #tpu.memory_space<vmem>>) semaphore(%arg7 : memref<!tpu.dma_semaphore, #tpu.memory_space<semaphore_mem>>)
    %dma_wait3A = arith.constant 0 : i32
    %dma_wait3A_5 = arith.constant 0 : i32
    %dma_wait3A_6 = tpu.memref_slice %arg2[%dma_wait3A, %dma_wait3A_5] : memref<8192x256xf32, #tpu.memory_space<hbm>> -> memref<8192x256xf32, #tpu.memory_space<hbm>>
    tpu.wait_indirect_dma semaphore(%arg7 : memref<!tpu.dma_semaphore, #tpu.memory_space<semaphore_mem>>) src(%dma_wait3A_6 : memref<8192x256xf32, #tpu.memory_space<hbm>>) dst(%arg6 : memref<128x256xf32, #tpu.memory_space<vmem>>)
    "tpu.region"() ({
      %run_scoped3A = tpu.sem_alloc : memref<!tpu.dma_semaphore, #tpu.memory_space<semaphore_mem>>
      %dma_start3A_7 = arith.constant 0 : i32
      %dma_start3A_8 = tpu.memref_slice %arg4[%mul3A_2, %dma_start3A_7] : memref<4096x256xf32, #tpu.memory_space<hbm>> -> memref<128x256xf32, #tpu.memory_space<hbm>>
      %dma_start3A_9 = arith.constant 0 : i32
      %dma_start3A_10 = tpu.memref_slice %arg4[%mul3A_2, %dma_start3A_9] : memref<4096x256xf32, #tpu.memory_space<hbm>> -> memref<128x256xf32, #tpu.memory_space<hbm>>
      tpu.enqueue_dma source(%arg6 : memref<128x256xf32, #tpu.memory_space<vmem>>) target(%dma_start3A_10 : memref<128x256xf32, #tpu.memory_space<hbm>>) target_semaphore(%run_scoped3A : memref<!tpu.dma_semaphore, #tpu.memory_space<semaphore_mem>>)
      %dma_wait3A_11 = arith.constant 0 : i32
      %dma_wait3A_12 = tpu.memref_slice %arg4[%mul3A_2, %dma_wait3A_11] : memref<4096x256xf32, #tpu.memory_space<hbm>> -> memref<128x256xf32, #tpu.memory_space<hbm>>
      %dma_wait3A_13 = arith.constant 0 : i32
      %dma_wait3A_14 = tpu.memref_slice %arg4[%mul3A_2, %dma_wait3A_13] : memref<4096x256xf32, #tpu.memory_space<hbm>> -> memref<128x256xf32, #tpu.memory_space<hbm>>
      tpu.wait_dma2 semaphore(%run_scoped3A : memref<!tpu.dma_semaphore, #tpu.memory_space<semaphore_mem>>) src(%arg6 : memref<128x256xf32, #tpu.memory_space<vmem>>) dst(%dma_wait3A_14 : memref<128x256xf32, #tpu.memory_space<hbm>>)
      tpu.yield
    }) : () -> ()
    return
  }
}

module attributes {stable_mosaic.version = 14 : i64} {
  func.func @_argmin_body(%arg0: i32, %arg1: i32, %arg2: memref<512x256xf32, #tpu.memory_space<vmem>>, %arg3: memref<8192x256xbf16, #tpu.memory_space<vmem>>, %arg4: memref<512x1xf32, #tpu.memory_space<vmem>>, %arg5: memref<1x8192xf32, #tpu.memory_space<vmem>>, %arg6: memref<512x1xi32, #tpu.memory_space<vmem>>, %arg7: memref<512x1xf32, #tpu.memory_space<vmem>>) attributes {dimension_semantics = [#tpu.dimension_semantics<arbitrary>, #tpu.dimension_semantics<arbitrary>], iteration_bounds = array<i64: 8, 4>, scalar_prefetch = 0 : i64, scratch_operands = 1 : i64, tpu.core_type = #tpu.core_type<tc>, window_params = [{transform_indices = @transform_0, window_bounds = array<i64: 512, 256>}, {pipeline_mode = #tpu.pipeline_mode<synchronous>, transform_indices = @transform_1, window_bounds = array<i64: 8192, 256>}, {transform_indices = @transform_2, window_bounds = array<i64: 512, 1>}, {pipeline_mode = #tpu.pipeline_mode<synchronous>, transform_indices = @transform_3, window_bounds = array<i64: 1, 8192>}, {transform_indices = @transform_4, window_bounds = array<i64: 512, 1>}]} {
    %eq3A = arith.constant 0 : i32
    %eq3A_0 = arith.cmpi eq, %arg1, %eq3A : i32
    %convert_element_type3A = arith.extui %eq3A_0 : i1 to i32
    %cond3A = arith.constant 0 : i32
    %cond3A_1 = arith.cmpi ne, %convert_element_type3A, %cond3A : i32
    scf.if %cond3A_1 {
      %broadcast_in_dim3A_55 = arith.constant 0x7F800000 : f32
      %broadcast_in_dim3A_56 = vector.broadcast %broadcast_in_dim3A_55 : f32 to vector<512x1xf32>
      %swap3A_57 = arith.constant 0 : index
      %swap3A_58 = arith.constant 0 : index
      %swap3A_59 = vector.load %arg7[%swap3A_57, %swap3A_58] : memref<512x1xf32, #tpu.memory_space<vmem>>, vector<512x1xf32>
      tpu.vector_store %arg7[%swap3A_57, %swap3A_58], %broadcast_in_dim3A_56 {strides = array<i32>} : memref<512x1xf32, #tpu.memory_space<vmem>>, vector<512x1xf32>,
      %broadcast_in_dim3A_60 = arith.constant 0 : i32
      %broadcast_in_dim3A_61 = vector.broadcast %broadcast_in_dim3A_60 : i32 to vector<512x1xi32>
      %swap3A_62 = arith.constant 0 : index
      %swap3A_63 = arith.constant 0 : index
      %swap3A_64 = vector.load %arg6[%swap3A_62, %swap3A_63] : memref<512x1xi32, #tpu.memory_space<vmem>>, vector<512x1xi32>
      tpu.vector_store %arg6[%swap3A_62, %swap3A_63], %broadcast_in_dim3A_61 {strides = array<i32>} : memref<512x1xi32, #tpu.memory_space<vmem>>, vector<512x1xi32>,
    } else {
    }
    %get3A = arith.constant 0 : index
    %get3A_2 = arith.constant 0 : index
    %get3A_3 = vector.load %arg2[%get3A, %get3A_2] : memref<512x256xf32, #tpu.memory_space<vmem>>, vector<512x256xf32>
    %convert_element_type3A_4 = arith.truncf %get3A_3 : vector<512x256xf32> to vector<512x256xbf16>
    %mul3A = arith.constant 2048 : i32
    %mul3A_5 = arith.muli %arg1, %mul3A : i32
    %get3A_6 = arith.index_cast %mul3A_5 : i32 to index
    %get3A_7 = arith.constant 0 : index
    %get3A_8 = vector.load %arg3[%get3A_6, %get3A_7] : memref<8192x256xbf16, #tpu.memory_space<vmem>>, vector<2048x256xbf16>
    %get3A_9 = arith.constant 0 : index
    %get3A_10 = arith.constant 0 : index
    %get3A_11 = vector.load %arg4[%get3A_9, %get3A_10] : memref<512x1xf32, #tpu.memory_space<vmem>>, vector<512x1xf32>
    %mul3A_12 = arith.constant 2048 : i32
    %mul3A_13 = arith.muli %arg1, %mul3A_12 : i32
    %get3A_14 = arith.constant 0 : index
    %get3A_15 = arith.index_cast %mul3A_13 : i32 to index
    %get3A_16 = vector.load %arg5[%get3A_14, %get3A_15] : memref<1x8192xf32, #tpu.memory_space<vmem>>, vector<1x2048xf32>
    %dot_general3A = arith.constant dense<0.000000e+00> : vector<512x2048xf32>
    %dot_general3A_17 = tpu.matmul %convert_element_type3A_4, %get3A_8, %dot_general3A {dimension_numbers = #tpu.dot_dimension_numbers<[1], [1], [0], [0], [0, 0, 1, 0], [], []>, transpose_lhs_hint = false} : vector<512x256xbf16>, vector<2048x256xbf16>, vector<512x2048xf32> -> vector<512x2048xf32>
    %add3A = vector.broadcast %get3A_11 : vector<512x1xf32> to vector<512x2048xf32>
    %add3A_18 = vector.broadcast %get3A_16 : vector<1x2048xf32> to vector<512x2048xf32>
    %add3A_19 = arith.addf %add3A, %add3A_18 : vector<512x2048xf32>
    %mul3A_20 = arith.constant -2.000000e+00 : f32
    %mul3A_21 = vector.broadcast %mul3A_20 : f32 to vector<512x2048xf32>
    %mul3A_22 = arith.mulf %dot_general3A_17, %mul3A_21 : vector<512x2048xf32>
    %add3A_23 = arith.addf %add3A_19, %mul3A_22 : vector<512x2048xf32>
    %reduce_min3A = arith.constant dense<0x7F800000> : vector<512xf32>
    %reduce_min3A_24 = vector.multi_reduction <minimumf>, %add3A_23, %reduce_min3A [1] : vector<512x2048xf32> to vector<512xf32>
    %broadcast_in_dim3A = vector.shape_cast %reduce_min3A_24 : vector<512xf32> to vector<512x1xf32>
    %iota3A = tpu.iota {dimensions = array<i32: 1>} : vector<1x2048xi32>
    %convert_element_type3A_25 = arith.sitofp %iota3A : vector<1x2048xi32> to vector<1x2048xf32>
    %eq3A_26 = vector.broadcast %broadcast_in_dim3A : vector<512x1xf32> to vector<512x2048xf32>
    %eq3A_27 = arith.cmpf oeq, %add3A_23, %eq3A_26 : vector<512x2048xf32>
    %jit3A = arith.constant 0x7F800000 : f32
    %broadcast_in_dim3A_28 = vector.shape_cast %convert_element_type3A_25 : vector<1x2048xf32> to vector<1x2048xf32>
    %broadcast_in_dim3A_29 = vector.broadcast %broadcast_in_dim3A_28 : vector<1x2048xf32> to vector<512x2048xf32>
    %broadcast_in_dim3A_30 = vector.broadcast %jit3A : f32 to vector<512x2048xf32>
    %select_n3A = arith.select %eq3A_27, %broadcast_in_dim3A_29, %broadcast_in_dim3A_30 : vector<512x2048xi1>, vector<512x2048xf32>
    %reduce_min3A_31 = arith.constant dense<0x7F800000> : vector<512xf32>
    %reduce_min3A_32 = vector.multi_reduction <minimumf>, %select_n3A, %reduce_min3A_31 [1] : vector<512x2048xf32> to vector<512xf32>
    %broadcast_in_dim3A_33 = vector.shape_cast %reduce_min3A_32 : vector<512xf32> to vector<512x1xf32>
    %get3A_34 = arith.constant 0 : index
    %get3A_35 = arith.constant 0 : index
    %get3A_36 = vector.load %arg7[%get3A_34, %get3A_35] : memref<512x1xf32, #tpu.memory_space<vmem>>, vector<512x1xf32>
    %lt3A = arith.cmpf olt, %broadcast_in_dim3A, %get3A_36 : vector<512x1xf32>
    %convert_element_type3A_37 = arith.fptosi %broadcast_in_dim3A_33 : vector<512x1xf32> to vector<512x1xi32>
    %mul3A_38 = arith.constant 2048 : i32
    %mul3A_39 = arith.muli %arg1, %mul3A_38 : i32
    %add3A_40 = vector.broadcast %mul3A_39 : i32 to vector<512x1xi32>
    %add3A_41 = arith.addi %convert_element_type3A_37, %add3A_40 : vector<512x1xi32>
    %get3A_42 = arith.constant 0 : index
    %get3A_43 = arith.constant 0 : index
    %get3A_44 = vector.load %arg6[%get3A_42, %get3A_43] : memref<512x1xi32, #tpu.memory_space<vmem>>, vector<512x1xi32>
    %select_n3A_45 = arith.select %lt3A, %add3A_41, %get3A_44 : vector<512x1xi1>, vector<512x1xi32>
    %swap3A = arith.constant 0 : index
    %swap3A_46 = arith.constant 0 : index
    %swap3A_47 = vector.load %arg6[%swap3A, %swap3A_46] : memref<512x1xi32, #tpu.memory_space<vmem>>, vector<512x1xi32>
    tpu.vector_store %arg6[%swap3A, %swap3A_46], %select_n3A_45 {strides = array<i32>} : memref<512x1xi32, #tpu.memory_space<vmem>>, vector<512x1xi32>,
    %get3A_48 = arith.constant 0 : index
    %get3A_49 = arith.constant 0 : index
    %get3A_50 = vector.load %arg7[%get3A_48, %get3A_49] : memref<512x1xf32, #tpu.memory_space<vmem>>, vector<512x1xf32>
    %select_n3A_51 = arith.select %lt3A, %broadcast_in_dim3A, %get3A_50 : vector<512x1xi1>, vector<512x1xf32>
    %swap3A_52 = arith.constant 0 : index
    %swap3A_53 = arith.constant 0 : index
    %swap3A_54 = vector.load %arg7[%swap3A_52, %swap3A_53] : memref<512x1xf32, #tpu.memory_space<vmem>>, vector<512x1xf32>
    tpu.vector_store %arg7[%swap3A_52, %swap3A_53], %select_n3A_51 {strides = array<i32>} : memref<512x1xf32, #tpu.memory_space<vmem>>, vector<512x1xf32>,
    return
  }
  func.func @transform_0(%arg0: i32, %arg1: i32) -> (i32, i32) {
    %c0_i32 = arith.constant 0 : i32
    %c0_i32_0 = arith.constant 0 : i32
    return %arg0, %c0_i32 : i32, i32
  }
  func.func @transform_1(%arg0: i32, %arg1: i32) -> (i32, i32) {
    %c0_i32 = arith.constant 0 : i32
    %c0_i32_0 = arith.constant 0 : i32
    %c0_i32_1 = arith.constant 0 : i32
    return %c0_i32, %c0_i32_0 : i32, i32
  }
  func.func @transform_2(%arg0: i32, %arg1: i32) -> (i32, i32) {
    %c0_i32 = arith.constant 0 : i32
    %c0_i32_0 = arith.constant 0 : i32
    return %arg0, %c0_i32 : i32, i32
  }
  func.func @transform_3(%arg0: i32, %arg1: i32) -> (i32, i32) {
    %c0_i32 = arith.constant 0 : i32
    %c0_i32_0 = arith.constant 0 : i32
    %c0_i32_1 = arith.constant 0 : i32
    return %c0_i32, %c0_i32_0 : i32, i32
  }
  func.func @transform_4(%arg0: i32, %arg1: i32) -> (i32, i32) {
    %c0_i32 = arith.constant 0 : i32
    %c0_i32_0 = arith.constant 0 : i32
    return %arg0, %c0_i32 : i32, i32
  }
}

module attributes {stable_mosaic.version = 14 : i64} {
  func.func @_onehot_body(%arg0: i32, %arg1: memref<256x1xi32, #tpu.memory_space<vmem>>, %arg2: memref<256x8192xf32, #tpu.memory_space<vmem>>, %arg3: memref<1x1xf32, #tpu.memory_space<smem>>, %arg4: memref<1x8192xf32, #tpu.memory_space<vmem>>) attributes {dimension_semantics = [#tpu.dimension_semantics<arbitrary>], iteration_bounds = array<i64: 16>, scalar_prefetch = 0 : i64, scratch_operands = 1 : i64, tpu.core_type = #tpu.core_type<tc>, window_params = [{transform_indices = @transform_0, window_bounds = array<i64: 256, 1>}, {transform_indices = @transform_1, window_bounds = array<i64: 256, 8192>}, {transform_indices = @transform_2, window_bounds = array<i64: 1, 1>}]} {
    %get3A = arith.constant 0 : index
    %get3A_0 = arith.constant 0 : index
    %get3A_1 = vector.load %arg1[%get3A, %get3A_0] : memref<256x1xi32, #tpu.memory_space<vmem>>, vector<256x1xi32>
    %iota3A = tpu.iota {dimensions = array<i32: 1>} : vector<256x8192xi32>
    %eq3A = vector.broadcast %get3A_1 : vector<256x1xi32> to vector<256x8192xi32>
    %eq3A_2 = arith.cmpi eq, %iota3A, %eq3A : vector<256x8192xi32>
    %jit3A = arith.constant 1.000000e+00 : f32
    %jit3A_3 = arith.constant 0.000000e+00 : f32
    %broadcast_in_dim3A = vector.broadcast %jit3A : f32 to vector<256x8192xf32>
    %broadcast_in_dim3A_4 = vector.broadcast %jit3A_3 : f32 to vector<256x8192xf32>
    %select_n3A = arith.select %eq3A_2, %broadcast_in_dim3A, %broadcast_in_dim3A_4 : vector<256x8192xi1>, vector<256x8192xf32>
    %swap3A = arith.constant 0 : index
    %swap3A_5 = arith.constant 0 : index
    %swap3A_6 = vector.load %arg2[%swap3A, %swap3A_5] : memref<256x8192xf32, #tpu.memory_space<vmem>>, vector<256x8192xf32>
    tpu.vector_store %arg2[%swap3A, %swap3A_5], %select_n3A {strides = array<i32>} : memref<256x8192xf32, #tpu.memory_space<vmem>>, vector<256x8192xf32>,
    %reduce_sum3A = arith.constant dense<0.000000e+00> : vector<8192xf32>
    %reduce_sum3A_7 = vector.multi_reduction <add>, %select_n3A, %reduce_sum3A [0] : vector<256x8192xf32> to vector<8192xf32>
    %broadcast_in_dim3A_8 = vector.shape_cast %reduce_sum3A_7 : vector<8192xf32> to vector<1x8192xf32>
    %eq3A_9 = arith.constant 0 : i32
    %eq3A_10 = arith.cmpi eq, %arg0, %eq3A_9 : i32
    %convert_element_type3A = arith.extui %eq3A_10 : i1 to i32
    %cond3A = arith.constant 0 : i32
    %cond3A_11 = arith.cmpi ne, %convert_element_type3A, %cond3A : i32
    scf.if %cond3A_11 {
      %swap3A_21 = arith.constant 0 : index
      %swap3A_22 = arith.constant 0 : index
      %swap3A_23 = vector.load %arg4[%swap3A_21, %swap3A_22] : memref<1x8192xf32, #tpu.memory_space<vmem>>, vector<1x8192xf32>
      tpu.vector_store %arg4[%swap3A_21, %swap3A_22], %broadcast_in_dim3A_8 {strides = array<i32>} : memref<1x8192xf32, #tpu.memory_space<vmem>>, vector<1x8192xf32>,
    } else {
    }
    %gt3A = arith.constant 0 : i32
    %gt3A_12 = arith.cmpi sgt, %arg0, %gt3A : i32
    %convert_element_type3A_13 = arith.extui %gt3A_12 : i1 to i32
    %cond3A_14 = arith.constant 0 : i32
    %cond3A_15 = arith.cmpi ne, %convert_element_type3A_13, %cond3A_14 : i32
    scf.if %cond3A_15 {
      %get3A_21 = arith.constant 0 : index
      %get3A_22 = arith.constant 0 : index
      %get3A_23 = vector.load %arg4[%get3A_21, %get3A_22] : memref<1x8192xf32, #tpu.memory_space<vmem>>, vector<1x8192xf32>
      %add3A = arith.addf %get3A_23, %broadcast_in_dim3A_8 : vector<1x8192xf32>
      %swap3A_24 = arith.constant 0 : index
      %swap3A_25 = arith.constant 0 : index
      %swap3A_26 = vector.load %arg4[%swap3A_24, %swap3A_25] : memref<1x8192xf32, #tpu.memory_space<vmem>>, vector<1x8192xf32>
      tpu.vector_store %arg4[%swap3A_24, %swap3A_25], %add3A {strides = array<i32>} : memref<1x8192xf32, #tpu.memory_space<vmem>>, vector<1x8192xf32>,
    } else {
    }
    %eq3A_16 = arith.constant 15 : i32
    %eq3A_17 = arith.cmpi eq, %arg0, %eq3A_16 : i32
    %convert_element_type3A_18 = arith.extui %eq3A_17 : i1 to i32
    %cond3A_19 = arith.constant 0 : i32
    %cond3A_20 = arith.cmpi ne, %convert_element_type3A_18, %cond3A_19 : i32
    scf.if %cond3A_20 {
      %get3A_21 = arith.constant 0 : index
      %get3A_22 = arith.constant 0 : index
      %get3A_23 = vector.load %arg4[%get3A_21, %get3A_22] : memref<1x8192xf32, #tpu.memory_space<vmem>>, vector<1x8192xf32>
      %div3A = arith.constant 4.096000e+03 : f32
      %div3A_24 = vector.broadcast %div3A : f32 to vector<1x8192xf32>
      %div3A_25 = arith.divf %get3A_23, %div3A_24 : vector<1x8192xf32>
      %add3A = arith.constant 1.000000e-10 : f32
      %add3A_26 = vector.broadcast %add3A : f32 to vector<1x8192xf32>
      %add3A_27 = arith.addf %div3A_25, %add3A_26 : vector<1x8192xf32>
      %log3A = math.log %add3A_27 : vector<1x8192xf32>
      %mul3A = arith.mulf %div3A_25, %log3A : vector<1x8192xf32>
      %reduce_sum3A_28 = vector.shape_cast %mul3A : vector<1x8192xf32> to vector<1x1x8192xf32>
      %reduce_sum3A_29 = arith.constant dense<0.000000e+00> : vector<1xf32>
      %reduce_sum3A_30 = vector.multi_reduction <add>, %reduce_sum3A_28, %reduce_sum3A_29 [1, 2] : vector<1x1x8192xf32> to vector<1xf32>
      %reduce_sum3A_31 = vector.shape_cast %reduce_sum3A_30 : vector<1xf32> to vector<1x1x1xf32>
      %reduce_sum3A_32 = vector.extract %reduce_sum3A_31[0, 0, 0] : f32 from vector<1x1x1xf32>
      %neg3A = arith.constant 0.000000e+00 : f32
      %neg3A_33 = arith.subf %neg3A, %reduce_sum3A_32 : f32
      %exp3A = math.exp %neg3A_33 : f32
      %swap3A_34 = arith.constant 0 : index
      %swap3A_35 = arith.constant 0 : index
      %swap3A_36 = memref.load %arg3[%swap3A_34, %swap3A_35] : memref<1x1xf32, #tpu.memory_space<smem>>
      memref.store %exp3A, %arg3[%swap3A_34, %swap3A_35] : memref<1x1xf32, #tpu.memory_space<smem>>
    } else {
    }
    return
  }
  func.func @transform_0(%arg0: i32) -> (i32, i32) {
    %c0_i32 = arith.constant 0 : i32
    %c0_i32_0 = arith.constant 0 : i32
    return %arg0, %c0_i32 : i32, i32
  }
  func.func @transform_1(%arg0: i32) -> (i32, i32) {
    %c0_i32 = arith.constant 0 : i32
    %c0_i32_0 = arith.constant 0 : i32
    return %arg0, %c0_i32 : i32, i32
  }
  func.func @transform_2(%arg0: i32) -> (i32, i32) {
    %c0_i32 = arith.constant 0 : i32
    %c0_i32_0 = arith.constant 0 : i32
    %c0_i32_1 = arith.constant 0 : i32
    return %c0_i32, %c0_i32_0 : i32, i32
  }
}

module attributes {stable_mosaic.version = 14 : i64} {
  func.func @_out_body(%arg0: i32, %arg1: memref<512x256xf32, #tpu.memory_space<vmem>>, %arg2: memref<512x256xf32, #tpu.memory_space<vmem>>, %arg3: memref<512x256xf32, #tpu.memory_space<vmem>>, %arg4: memref<1x1xf32, #tpu.memory_space<smem>>, %arg5: memref<1xf32, #tpu.memory_space<smem>>) attributes {dimension_semantics = [#tpu.dimension_semantics<arbitrary>], iteration_bounds = array<i64: 8>, scalar_prefetch = 0 : i64, scratch_operands = 1 : i64, tpu.core_type = #tpu.core_type<tc>, window_params = [{transform_indices = @transform_0, window_bounds = array<i64: 512, 256>}, {transform_indices = @transform_1, window_bounds = array<i64: 512, 256>}, {transform_indices = @transform_2, window_bounds = array<i64: 512, 256>}, {transform_indices = @transform_3, window_bounds = array<i64: 1, 1>}]} {
    %eq3A = arith.constant 0 : i32
    %eq3A_0 = arith.cmpi eq, %arg0, %eq3A : i32
    %convert_element_type3A = arith.extui %eq3A_0 : i1 to i32
    %cond3A = arith.constant 0 : i32
    %cond3A_1 = arith.cmpi ne, %convert_element_type3A, %cond3A : i32
    scf.if %cond3A_1 {
      %swap3A_23 = arith.constant 0.000000e+00 : f32
      %swap3A_24 = arith.constant 0 : index
      %swap3A_25 = memref.load %arg5[%swap3A_24] : memref<1xf32, #tpu.memory_space<smem>>
      memref.store %swap3A_23, %arg5[%swap3A_24] : memref<1xf32, #tpu.memory_space<smem>>
    } else {
    }
    %get3A = arith.constant 0 : index
    %get3A_2 = arith.constant 0 : index
    %get3A_3 = vector.load %arg1[%get3A, %get3A_2] : memref<512x256xf32, #tpu.memory_space<vmem>>, vector<512x256xf32>
    %get3A_4 = arith.constant 0 : index
    %get3A_5 = arith.constant 0 : index
    %get3A_6 = vector.load %arg2[%get3A_4, %get3A_5] : memref<512x256xf32, #tpu.memory_space<vmem>>, vector<512x256xf32>
    %sub3A = arith.subf %get3A_6, %get3A_3 : vector<512x256xf32>
    %add3A = arith.addf %get3A_3, %sub3A : vector<512x256xf32>
    %swap3A = arith.constant 0 : index
    %swap3A_7 = arith.constant 0 : index
    %swap3A_8 = vector.load %arg3[%swap3A, %swap3A_7] : memref<512x256xf32, #tpu.memory_space<vmem>>, vector<512x256xf32>
    tpu.vector_store %arg3[%swap3A, %swap3A_7], %add3A {strides = array<i32>} : memref<512x256xf32, #tpu.memory_space<vmem>>, vector<512x256xf32>,
    %get3A_9 = arith.constant 0 : index
    %get3A_10 = memref.load %arg5[%get3A_9] : memref<1xf32, #tpu.memory_space<smem>>
    %mul3A = arith.mulf %sub3A, %sub3A : vector<512x256xf32>
    %reduce_sum3A = vector.shape_cast %mul3A : vector<512x256xf32> to vector<1x512x256xf32>
    %reduce_sum3A_11 = arith.constant dense<0.000000e+00> : vector<1xf32>
    %reduce_sum3A_12 = vector.multi_reduction <add>, %reduce_sum3A, %reduce_sum3A_11 [1, 2] : vector<1x512x256xf32> to vector<1xf32>
    %reduce_sum3A_13 = vector.shape_cast %reduce_sum3A_12 : vector<1xf32> to vector<1x1x1xf32>
    %reduce_sum3A_14 = vector.extract %reduce_sum3A_13[0, 0, 0] : f32 from vector<1x1x1xf32>
    %add3A_15 = arith.addf %get3A_10, %reduce_sum3A_14 : f32
    %swap3A_16 = arith.constant 0 : index
    %swap3A_17 = memref.load %arg5[%swap3A_16] : memref<1xf32, #tpu.memory_space<smem>>
    memref.store %add3A_15, %arg5[%swap3A_16] : memref<1xf32, #tpu.memory_space<smem>>
    %eq3A_18 = arith.constant 7 : i32
    %eq3A_19 = arith.cmpi eq, %arg0, %eq3A_18 : i32
    %convert_element_type3A_20 = arith.extui %eq3A_19 : i1 to i32
    %cond3A_21 = arith.constant 0 : i32
    %cond3A_22 = arith.cmpi ne, %convert_element_type3A_20, %cond3A_21 : i32
    scf.if %cond3A_22 {
      %get3A_23 = arith.constant 0 : index
      %get3A_24 = memref.load %arg5[%get3A_23] : memref<1xf32, #tpu.memory_space<smem>>
      %mul3A_25 = arith.constant 2.500000e-01 : f32
      %mul3A_26 = arith.mulf %mul3A_25, %get3A_24 : f32
      %div3A = arith.constant 0x49800000 : f32
      %div3A_27 = arith.divf %mul3A_26, %div3A : f32
      %swap3A_28 = arith.constant 0 : index
      %swap3A_29 = arith.constant 0 : index
      %swap3A_30 = memref.load %arg4[%swap3A_28, %swap3A_29] : memref<1x1xf32, #tpu.memory_space<smem>>
      memref.store %div3A_27, %arg4[%swap3A_28, %swap3A_29] : memref<1x1xf32, #tpu.memory_space<smem>>
    } else {
    }
    return
  }
  func.func @transform_0(%arg0: i32) -> (i32, i32) {
    %c0_i32 = arith.constant 0 : i32
    %c0_i32_0 = arith.constant 0 : i32
    return %arg0, %c0_i32 : i32, i32
  }
  func.func @transform_1(%arg0: i32) -> (i32, i32) {
    %c0_i32 = arith.constant 0 : i32
    %c0_i32_0 = arith.constant 0 : i32
    return %arg0, %c0_i32 : i32, i32
  }
  func.func @transform_2(%arg0: i32) -> (i32, i32) {
    %c0_i32 = arith.constant 0 : i32
    %c0_i32_0 = arith.constant 0 : i32
    return %arg0, %c0_i32 : i32, i32
  }
  func.func @transform_3(%arg0: i32) -> (i32, i32) {
    %c0_i32 = arith.constant 0 : i32
    %c0_i32_0 = arith.constant 0 : i32
    %c0_i32_1 = arith.constant 0 : i32
    return %c0_i32, %c0_i32_0 : i32, i32
  }
}

</mosaic_0001>

<sc_bundles>
// kernel: kernel.6.cloned.1.call-start
scs
__scs_entry_jumppad:
0x0: {  	(pc) =	sbr.rel $0x88, $3  }
0x1: {  	(tag) =	ssettag $0x0;
	lr =	simm.s32 $0x1  }
0x2: {  	[smem:$0x3F9F] =	sst lr;
	_ =	strace $0xD0000000  }
0x3: {  	_ = 	snop  }
0x4: {  	_ = 	snop  }
0x5: {  	_ = 	snop  }
0x6: {  	_ = 	snop  }
0x7: {  	_ = 	snop  }
__scs_overlays_trampoline_lowered:
0x8: {  	[smem:$0x3FAE] =	sst s0  }
0x9: {  	[smem:$0x3FAF] =	sst s1  }
0xa: {  	[smem:$0x3FB0] =	sst s2  }
0xb: {  	[smem:$0x3FB1] =	sst s3  }
0xc: {  	[smem:$0x3FB2] =	sst s4  }
0xd: {  	[smem:$0x3FB3] =	sst s5  }
0xe: {  	[smem:$0x3FB4] =	sst s6  }
0xf: {  	[smem:$0x3FB5] =	sst s7  }
0x10: {  	[smem:$0x3FB6] =	sst s8  }
0x11: {  	[smem:$0x3FB7] =	sst s9;
	s0 =	simm.s32 @!p0 $0x0  }
0x12: {  	s1 =	sld [smem:$0x3F9D];
	s0 =	simm.s32 @p0 $0x1  }
0x13: {  	[smem:$0x3FB8] =	sst s0;
	s0 =	simm.s32 @!p1 $0x0  }
0x14: {  	s2 =	sld [smem:$0x3F9C];
	s0 =	simm.s32 @p1 $0x1  }
0x15: {  	[smem:$0x3FB9] =	sst s0;
	s0 =	simm.s32 @!p2 $0x0  }
0x16: {  	s3 =	sld [smem:$0x3FDB];
	s0 =	simm.s32 @p2 $0x1  }
0x17: {  	s4 =	simm.s32 $0x1BF5;
	[smem:$0x3FBB] =	sst s0  }
0x18: {  	s0 =	sld [smem:$0x3F9E];
	_ =	swait.ge [sflag:s4], $0x0  }
0x19: {  	s7 =	sld [smem:$0x3F9F]  }
0x1a: {  	s8 =	sadd.s32 $0xFFFFE003, lr  }
0x1b: {  	s9 =	sadd.s32 $0xFFFFFEF7, lr;
	s5 =	simm.s32 $0xFFFFFFFF;
	p2 =	slt.u32 s8, $0xFFFFF086  }
0x1c: {  	p1 =	slt.u32 s9, $0xF7A;
	s5 =	simm.s32 @!p2 $0x0  }
0x1d: {  	s5 =	simm.s32 @p1 $0x1;
	p0 =	seq.s32 s7, s2  }
0x1e: {  	s7 =	smul.u32 @!p0 $0xF7A, s2;
	p2 =	seq.s32 @!p0 s5, $0x0  }
0x1f: {  	s9 =	smul.u32 $0xF7A, s1;
	s8 =	simm.s32 @!p0 $0x1BF5;
	p2 =	por !p2, p0  }
0x20: {  	[sflag:s8] =	ssyncset.s32 @!p0 $0xFFFFF086;
	s6 =	sadd.s32 @!p0 s3, s7;
	s7 =	simm.s32 @!p0 $0x108  }
0x21: {  	s3 =	sadd.s32 s3, s9;
	s6 =	sadd.s32 @!p0 $0x88, s6;
	s7 =	simm.s32 @p2 $0x1082  }
0x22: {  	[simem:s7], [sflag:s8] =	dma.local @!p0 [hbm:s6], $0xF7A  }
0x23: {  	s9 =	sor.u32 $0xD0000000, s2;
	s6 =	simm.s32 $0x108;
	_ =	swait.ge @!p0 [sflag:s8], $0x0  }
0x24: {  	s3 =	sadd.s32 $0x88, s3;
	s6 =	simm.s32 @!p1 $0x1082;
	[sflag:s4] =	ssyncset.s32 $0xFFFFF086  }
0x25: {  	[simem:s6], [sflag:s4] =	dma.local [hbm:s3], $0xF7A  }
0x26: {  	[smem:$0x3F9F] =	sst s1;
	(tag) =	ssettag s2;
	_ =	strace s9  }
0x27: {  	s1 =	sld [smem:$0x3FAF]  }
0x28: {  	s2 =	sld [smem:$0x3FB0]  }
0x29: {  	s4 =	sld [smem:$0x3FB2]  }
0x2a: {  	p0 =	seq.s32 s5, $0x0;
	s5 =	sld [smem:$0x3FB3]  }
0x2b: {  	s6 =	sld [smem:$0x3FB4]  }
0x2c: {  	s7 =	sld [smem:$0x3FB5]  }
0x2d: {  	s3 =	simm.s32 $0x108;
	s8 =	sld [smem:$0x3FB6]  }
0x2e: {  	s3 =	simm.s32 @!p0 $0x1082;
	s9 =	sld [smem:$0x3FB7]  }
0x2f: {  	lr =	sadd.s32 s0, s3;
	s0 =	sld [smem:$0x3FAE]  }
0x30: {  	s3 =	sld [smem:$0x3FB1]  }
0x31: {  	[smem:$0x3FBA] =	sst s10  }
0x32: {  	s10 =	sld [smem:$0x3FB8];
	_ =	sdelay $0x3  }
0x33: {  	p0 =	seq.s32 s10, $0x1;
	s10 =	sld [smem:$0x3FBA];
	_ =	sdelay $0x3  }
0x34: {  	[smem:$0x3FBA] =	sst s10  }
0x35: {  	s10 =	sld [smem:$0x3FB9];
	_ =	sdelay $0x3  }
0x36: {  	p1 =	seq.s32 s10, $0x1;
	s10 =	sld [smem:$0x3FBA];
	_ =	sdelay $0x3  }
0x37: {  	[smem:$0x3FBA] =	sst s10  }
0x38: {  	s10 =	sld [smem:$0x3FBB]  }
0x39: {  	_ = 	snop;
	(pc) =	sbr.ind lr, $3  }
0x3a: {  	_ = 	snop  }
0x3b: {  	_ = 	snop  }
0x3c: {  	p2 =	seq.s32 s10, $0x1;
	s10 =	sld [smem:$0x3FBA]  }
0x3d: {  	_ =	shalt  }
0x3e: {  	_ =	shalt  }
0x3f: {  	_ =	shalt  }
0x40: {  	_ =	shalt  }
0x41: {  	_ =	shalt  }
0x42: {  	_ =	shalt  }
0x43: {  	_ =	shalt  }
0x44: {  	_ =	shalt  }
0x45: {  	_ =	shalt  }
0x46: {  	_ =	shalt  }
0x47: {  	_ =	shalt  }
0x48: {  	_ =	shalt  }
0x49: {  	_ =	shalt  }
0x4a: {  	_ =	shalt  }
0x4b: {  	_ =	shalt  }
0x4c: {  	_ =	shalt  }
0x4d: {  	_ =	shalt  }
0x4e: {  	_ =	shalt  }
0x4f: {  	_ =	shalt  }
0x50: {  	_ =	shalt  }
0x51: {  	_ =	shalt  }
0x52: {  	_ =	shalt  }
0x53: {  	_ =	shalt  }
0x54: {  	_ =	shalt  }
0x55: {  	_ =	shalt  }
0x56: {  	_ =	shalt  }
0x57: {  	_ =	shalt  }
0x58: {  	_ =	shalt  }
0x59: {  	_ =	shalt  }
0x5a: {  	_ =	shalt  }
0x5b: {  	_ =	shalt  }
0x5c: {  	_ =	shalt  }
0x5d: {  	_ =	shalt  }
0x5e: {  	_ =	shalt  }
0x5f: {  	_ =	shalt  }
0x60: {  	_ =	shalt  }
0x61: {  	_ =	shalt  }
0x62: {  	_ =	shalt  }
0x63: {  	_ =	shalt  }
0x64: {  	_ =	shalt  }
0x65: {  	_ =	shalt  }
0x66: {  	_ =	shalt  }
0x67: {  	_ =	shalt  }
0x68: {  	_ =	shalt  }
0x69: {  	_ =	shalt  }
0x6a: {  	_ =	shalt  }
0x6b: {  	_ =	shalt  }
0x6c: {  	_ =	shalt  }
0x6d: {  	_ =	shalt  }
0x6e: {  	_ =	shalt  }
0x6f: {  	_ =	shalt  }
0x70: {  	_ =	shalt  }
0x71: {  	_ =	shalt  }
0x72: {  	_ =	shalt  }
0x73: {  	_ =	shalt  }
0x74: {  	_ =	shalt  }
0x75: {  	_ =	shalt  }
0x76: {  	_ =	shalt  }
0x77: {  	_ =	shalt  }
0x78: {  	_ =	shalt  }
0x79: {  	_ =	shalt  }
0x7a: {  	_ =	shalt  }
0x7b: {  	_ =	shalt  }
0x7c: {  	_ =	shalt  }
0x7d: {  	_ =	shalt  }
0x7e: {  	_ =	shalt  }
0x7f: {  	_ =	shalt  }
0x80: {  	_ =	shalt  }
0x81: {  	_ =	shalt  }
0x82: {  	_ =	shalt  }
0x83: {  	_ =	shalt  }
0x84: {  	_ =	shalt  }
0x85: {  	_ =	shalt  }
0x86: {  	_ =	shalt  }
0x87: {  	_ =	shalt  }
.Lfunc_end0:
.L_simem_size_0:
called_computation_lowered:
.L_overlay_start_0:
0x88: {  	s2 =	sld [smem:$0x3FD9]  }
0x89: {  	s3 =	sld [smem:$0x3FFE];
	_ =	sdelay $0x1  }
0x8a: {  	s1 =	srdreg.scid  }
0x8b: {  	s0 =	sand.u32 $0x1, s1  }
0x8c: {  	s15 =	sshll.u32 s0, $0xA;
	s2 =	sadd.s32 s3, s2  }
0x8d: {  	s2 =	sadd.s32 s2, s15  }
0x8e: {  	[smem:$0x3FC6] =	sst s2  }
0x8f: {  	_ = 	snop  }
0x90: {  	s2 =	sld [smem:$0x3FD0];
	_ =	sdelay $0x2  }
0x91: {  	s4 =	simm.s32 $0xA;
	s5 =	simm.s32 $0x10;
	s16 =	sld [smem:$0x3FC8]  }
0x92: {  	[smem:s5], [sflag:s4] =	dma.local [hbm:s2], $0x1  }
0x93: {  	_ =	swait.eq [sflag:s4], $0x1  }
0x94: {  	[sflag:s4] =	ssyncset.done $0x0  }
0x95: {  	s17 =	sld [smem:$0x10];
	[sflag:s4] =	ssyncadd.s32 $0xFFFFFFFF  }
0x96: {  	s18 =	sld [smem:$0x14];
	(tm) =	ssettm $0x1  }
0x97: {  	s19 =	sld [smem:$0x3FFB];
	_ =	sdelay $0x3  }
0x98: {  	_ =	strace s19  }
0x99: {  	s5 =	sld [smem:$0x3FFC];
	_ =	sdelay $0x3  }
0x9a: {  	_ =	strace s5  }
0x9b: {  	s5 =	sld [smem:$0x3FFD];
	_ =	sdelay $0x3  }
0x9c: {  	_ =	strace s5  }
0x9d: {  	_ =	strace $0x8FFFFFFF  }
0x9e: {  	s20 =	sld [smem:$0x3FDB];
	_ =	sdelay $0x1  }
0x9f: {  	s6 =	simm.s32 $_scs_section_size  }
0xa0: {  	s7 =	simm.s32 $_size__tile_overlayer_lowered;
	s8 =	simm.s32 $_tile_overlayer_lowered  }
0xa1: {  	s23 =	simm.s32 $0x1BFF;
	s22 =	sshll.u32 s8, $0x1;
	s5 =	sadd.s32 s6, s20  }
0xa2: {  	s9 =	simm.s32 $0x0;
	s21 =	sshll.u32 s7, $0x1;
	s7 =	sadd.s32 s22, s5  }
0xa3: {  	[timem:s9], [sflag:s23] =	dma.local [hbm:s7], s21  }
0xa4: {  	_ =	swait.ge [sflag:s23], s21  }
0xa5: {  	s6 =	ssub.s32 $0x0, s21;
	[sflag:s23] =	ssyncset.done $0x0  }
0xa6: {  	[sflag:s23] =	ssyncadd.s32 s6;
	_ =	sdelay $0x1  }
0xa7: {  	s24 =	simm.s32 $0x1B8B  }
0xa8: {  	_ =	swait.ge [sflag:s24], $0x1  }
0xa9: {  	[sflag:s24] =	ssyncset.done $0x0  }
0xaa: {  	s25 =	simm.s32 $0x1B8E;
	[sflag:s24] =	ssyncadd.s32 $0xFFFFFFFF  }
0xab: {  	s26 =	simm.s32 $execute0_lowered;
	[smem:$0x3FD2] =	sst s25  }
0xac: {  	s6 =	sshll.u32 s26, $0x1;
	_ =	strace $0x80000046;
	[dreg:$0x1] =	wrdreg $0xFFFFFFFF  }
0xad: {  	s28 =	simm.s32 $_size_execute0_lowered;
	s5 =	sadd.s32 s5, s6;
	[dreg:$0x0] =	wrdreg $0x0  }
0xae: {  	s6 =	sshll.u32 s28, $0x1;
	[dreg:$0x2] =	wrdreg s5  }
0xaf: {  	[dreg:$0x3] =	wrdreg s6  }
0xb0: {  	[dreg:$0x4] =	wrdreg $0xC0  }
0xb1: {  	_ =	task [dreg:s9], $0x5FFFF  }
0xb2: {  	[dreg:$0x1] =	wrdreg $0xFFFFFFFF  }
0xb3: {  	[dreg:$0x0] =	wrdreg $0x60  }
0xb4: {  	[dreg:$0x2] =	wrdreg s16  }
0xb5: {  	[dreg:$0x3] =	wrdreg s18  }
0xb6: {  	[dreg:$0x4] =	wrdreg s17  }
0xb7: {  	[dreg:$0x5] =	wrdreg $0x9  }
0xb8: {  	_ =	task.clear_ibuf [dreg:s9], $0x6FFFF;
	_ =	strace $0x90000046  }
0xb9: {  	s29 =	simm.s32 $0x9;
	_ =	strace $0x80000048  }
0xba: {  	_ =	swait.ge [sflag:s29], $0x1  }
0xbb: {  	[sflag:s29] =	ssyncadd.s32 $0xFFFFFFFF  }
0xbc: {  	_ =	strace $0x90000048  }
0xbd: {  	_ =	sfence  }
0xbe: {  	s30 =	sld [smem:$0x0];
	_ =	sdelay $0x2  }
0xbf: {  	s31 =	sshll.u32 s1, $0xD;
	s1 =	sshrl.u32 s1, $0x2  }
0xc0: {  	s3 =	sand.u32 $0x4000, s31;
	s1 =	sadd.s32 s1, s30  }
0xc1: {  	s0 =	sor.u32 s3, s0;
	s1 =	sshll.u32 s1, $0x11  }
0xc2: {  	s0 =	sor.u32 s1, s0  }
0xc3: {  	s0 =	sadd.s32 $0x8F2B, s0  }
0xc4: {  	[sflag:s0] =	ssyncadd.remote.s32 $0x1  }
0xc5: {  	_ =	sfence.sel $0xFFFF  }
0xc6: {  	[dreg:$0x0] =	wrdreg $0xFFFFFFFF;
	(pc) =	sbr.abs _section_cstart, $3  }
0xc7: {  	[dreg:$0x1] =	wrdreg $0xFFFFFFFF  }
0xc8: {  	_ =	task.clear_ibuf [dreg:s9], $0x2FFFF;
	_ =	strace $0x9FFFFFFF  }
0xc9: {  	(tm) =	ssettm $0x7FFFFFFF  }
tec
execute0_lowered:
.L_overlay_start_1:
0x0: {  	(tag) =	ssettag $0x1  }
0x1: {  	s1 =	rddreg [dreg:$0x0]  }
0x2: {  	s4 =	rddreg [dreg:$0x1]  }
0x3: {  	s5 =	rddreg [dreg:$0x2]  }
0x4: {  	s0 =	rddreg [dreg:$0x3];
	s3 =	simm.s32 $0x0;
	s6 =	srdreg.scid  }
0x5: {  	s2 =	stileid.u32;
	s10 =	simm.s32 $0x1080;
	s11 =	simm.s32 $0x1880  }
0x6: {  	s12 =	simm.s32 $0x2080;
	s13 =	simm.s32 $0x2880;
	s14 =	simm.s32 $0x3080  }
0x7: {  	s15 =	simm.s32 $0x3880;
	s16 =	simm.s32 $0x4080;
	s17 =	simm.s32 $0x4880  }
0x8: {  	s18 =	simm.s32 $0x5080;
	s19 =	simm.s32 $0x5880;
	s20 =	simm.s32 $0x6080  }
0x9: {  	s21 =	simm.s32 $0x6880;
	s22 =	simm.s32 $0x7080;
	s23 =	simm.s32 $0x7880  }
0xa: {  	s24 =	simm.s32 $0x1;
	[smem:$0x7FF] =	sst s3;
	s6 =	sand.u32 $0x1, s6  }
0xb: {  	s8 =	sshll.u32 s2, $0x8;
	s7 =	ssub.s32 $0x2, s6;
	s6 =	sshll.u32 s6, $0x7  }
0xc: {  	_ =	strace $0x80000047;
	s9 =	sshrl.u32 s7, $0x1;
	s6 =	sor.u32 s6, s8  }
0xd: {  	v2 =	vlaneseq.u32;
	s7 =	ssub.s32 s7, s9;
	s8 =	sshrl.u32 s6, $0x3;
	s6 =	sshll.u32 s6, $0x5  }
0xe: {  	vm0 =	vmmov $0xffff;
	v1 =	vshrl.u32 v2, $0x3;
	s9 =	simm.s32 $0x880;
	s4 =	sadd.s32 s4, s8;
	s5 =	sadd.s32 s5, s6  }
0xf: {  	v0 =	vand.u32 $0x7, v2;
	v2 =	vor.u32 $0x8, v2;
	v1 =	vmul.u32 $0x8, v1;
	s6 =	smax.u32 s7, $0x1;
	s7 =	simm.s32 $0x2;
	s8 =	simm.s32 $0x80  }
.LBB2_1:
0x10: {  	[tilespmem:s3], [sflag:$0x2] =	stream.linear.gather [hbm4b:s4+s3], $0x80, $0x38;
	[tilespmem:$0x8080] =	vst v63  }
0x11: {  	_ =	swait.ge [sflag:s7], $0x80  }
0x12: {  	[sflag:s7] =	ssyncset.done $0x0  }
0x13: {  	[sflag:s7] =	ssyncadd.s32 $0xFFFFFF80  }
0x14: {  	v3 =	vld [tilespmem:$0x0];
	_ =	sdelay $0x4  }
0x15: {  	v4 =	vshll.u32 v3, $0x1  }
0x16: {  	v3 =	vand.u32 $0x7, v3;
	v4 =	vand.u32 $0xFFFFFFF0, v4  }
0x17: {  	v3 =	vor.u32 v3, v4  }
0x18: {  	v4 =	vperm.xlane v3, v0;
	_ =	sdelay $0x1  }
0x19: {  	v3 =	vperm.xlane v3, v2;
	v4 =	vadd.s32 v1, v4;
	_ =	sdelay $0x1  }
0x1a: {  	v3 =	vadd.s32 v1, v3;
	_ =	sdelay $0x2  }
0x1b: {  	[tilespmem:s8], [sflag:$0x1] =	stream.indirect_vreg.gather [hbm4b:s1+s3], $0x80, v4, vm0, $0xb8;
	[tilespmem:$0x8080] =	vst v63  }
0x1c: {  	_ = 	snop  }
0x1d: {  	[tilespmem:s9], [sflag:$0x1] =	stream.indirect_vreg.gather [hbm4b:s1+s3], $0x80, v3, vm0, $0xb8;
	[tilespmem:$0x8080] =	vst v63  }
0x1e: {  	v3 =	vld [tilespmem:$0x10];
	_ =	sdelay $0x4  }
0x1f: {  	v57 =	vshll.u32 v3, $0x1  }
0x20: {  	v3 =	vand.u32 $0x7, v3;
	v4 =	vand.u32 $0xFFFFFFF0, v57  }
0x21: {  	v3 =	vor.u32 v3, v4  }
0x22: {  	v4 =	vperm.xlane v3, v0;
	_ =	sdelay $0x1  }
0x23: {  	v3 =	vperm.xlane v3, v2;
	v4 =	vadd.s32 v1, v4;
	_ =	sdelay $0x1  }
0x24: {  	v3 =	vadd.s32 v1, v3;
	_ =	sdelay $0x2  }
0x25: {  	[tilespmem:s10], [sflag:$0x1] =	stream.indirect_vreg.gather [hbm4b:s1+s3], $0x80, v4, vm0, $0xb8;
	[tilespmem:$0x8080] =	vst v63  }
0x26: {  	_ = 	snop  }
0x27: {  	[tilespmem:s11], [sflag:$0x1] =	stream.indirect_vreg.gather [hbm4b:s1+s3], $0x80, v3, vm0, $0xb8;
	[tilespmem:$0x8080] =	vst v63  }
0x28: {  	v3 =	vld [tilespmem:$0x20];
	_ =	sdelay $0x4  }
0x29: {  	v58 =	vshll.u32 v3, $0x1  }
0x2a: {  	v3 =	vand.u32 $0x7, v3;
	v4 =	vand.u32 $0xFFFFFFF0, v58  }
0x2b: {  	v3 =	vor.u32 v3, v4  }
0x2c: {  	v4 =	vperm.xlane v3, v0;
	_ =	sdelay $0x1  }
0x2d: {  	v3 =	vperm.xlane v3, v2;
	v4 =	vadd.s32 v1, v4;
	_ =	sdelay $0x1  }
0x2e: {  	v3 =	vadd.s32 v1, v3;
	_ =	sdelay $0x2  }
0x2f: {  	[tilespmem:s12], [sflag:$0x1] =	stream.indirect_vreg.gather [hbm4b:s1+s3], $0x80, v4, vm0, $0xb8;
	[tilespmem:$0x8080] =	vst v63  }
0x30: {  	_ = 	snop  }
0x31: {  	[tilespmem:s13], [sflag:$0x1] =	stream.indirect_vreg.gather [hbm4b:s1+s3], $0x80, v3, vm0, $0xb8;
	[tilespmem:$0x8080] =	vst v63  }
0x32: {  	v3 =	vld [tilespmem:$0x30];
	_ =	sdelay $0x4  }
0x33: {  	v59 =	vshll.u32 v3, $0x1  }
0x34: {  	v3 =	vand.u32 $0x7, v3;
	v4 =	vand.u32 $0xFFFFFFF0, v59  }
0x35: {  	v3 =	vor.u32 v3, v4  }
0x36: {  	v4 =	vperm.xlane v3, v0;
	_ =	sdelay $0x1  }
0x37: {  	v3 =	vperm.xlane v3, v2;
	v4 =	vadd.s32 v1, v4;
	_ =	sdelay $0x1  }
0x38: {  	v3 =	vadd.s32 v1, v3;
	_ =	sdelay $0x2  }
0x39: {  	[tilespmem:s14], [sflag:$0x1] =	stream.indirect_vreg.gather [hbm4b:s1+s3], $0x80, v4, vm0, $0xb8;
	[tilespmem:$0x8080] =	vst v63  }
0x3a: {  	_ = 	snop  }
0x3b: {  	[tilespmem:s15], [sflag:$0x1] =	stream.indirect_vreg.gather [hbm4b:s1+s3], $0x80, v3, vm0, $0xb8;
	[tilespmem:$0x8080] =	vst v63  }
0x3c: {  	v3 =	vld [tilespmem:$0x40];
	_ =	sdelay $0x4  }
0x3d: {  	v60 =	vshll.u32 v3, $0x1  }
0x3e: {  	v3 =	vand.u32 $0x7, v3;
	v4 =	vand.u32 $0xFFFFFFF0, v60  }
0x3f: {  	v3 =	vor.u32 v3, v4  }
0x40: {  	v4 =	vperm.xlane v3, v0;
	_ =	sdelay $0x1  }
0x41: {  	v3 =	vperm.xlane v3, v2;
	v4 =	vadd.s32 v1, v4;
	_ =	sdelay $0x1  }
0x42: {  	v3 =	vadd.s32 v1, v3;
	_ =	sdelay $0x2  }
0x43: {  	[tilespmem:s16], [sflag:$0x1] =	stream.indirect_vreg.gather [hbm4b:s1+s3], $0x80, v4, vm0, $0xb8;
	[tilespmem:$0x8080] =	vst v63  }
0x44: {  	_ = 	snop  }
0x45: {  	[tilespmem:s17], [sflag:$0x1] =	stream.indirect_vreg.gather [hbm4b:s1+s3], $0x80, v3, vm0, $0xb8;
	[tilespmem:$0x8080] =	vst v63  }
0x46: {  	v3 =	vld [tilespmem:$0x50];
	_ =	sdelay $0x4  }
0x47: {  	v61 =	vshll.u32 v3, $0x1  }
0x48: {  	v3 =	vand.u32 $0x7, v3;
	v4 =	vand.u32 $0xFFFFFFF0, v61  }
0x49: {  	v3 =	vor.u32 v3, v4  }
0x4a: {  	v4 =	vperm.xlane v3, v0;
	_ =	sdelay $0x1  }
0x4b: {  	v3 =	vperm.xlane v3, v2;
	v4 =	vadd.s32 v1, v4;
	_ =	sdelay $0x1  }
0x4c: {  	v3 =	vadd.s32 v1, v3;
	_ =	sdelay $0x2  }
0x4d: {  	[tilespmem:s18], [sflag:$0x1] =	stream.indirect_vreg.gather [hbm4b:s1+s3], $0x80, v4, vm0, $0xb8;
	[tilespmem:$0x8080] =	vst v63  }
0x4e: {  	_ = 	snop  }
0x4f: {  	[tilespmem:s19], [sflag:$0x1] =	stream.indirect_vreg.gather [hbm4b:s1+s3], $0x80, v3, vm0, $0xb8;
	[tilespmem:$0x8080] =	vst v63  }
0x50: {  	v3 =	vld [tilespmem:$0x60];
	_ =	sdelay $0x4  }
0x51: {  	v62 =	vshll.u32 v3, $0x1  }
0x52: {  	v3 =	vand.u32 $0x7, v3;
	v4 =	vand.u32 $0xFFFFFFF0, v62  }
0x53: {  	v3 =	vor.u32 v3, v4  }
0x54: {  	v4 =	vperm.xlane v3, v0;
	_ =	sdelay $0x1  }
0x55: {  	v3 =	vperm.xlane v3, v2;
	v4 =	vadd.s32 v1, v4;
	_ =	sdelay $0x1  }
0x56: {  	v3 =	vadd.s32 v1, v3;
	_ =	sdelay $0x2  }
0x57: {  	[tilespmem:s20], [sflag:$0x1] =	stream.indirect_vreg.gather [hbm4b:s1+s3], $0x80, v4, vm0, $0xb8;
	[tilespmem:$0x8080] =	vst v63  }
0x58: {  	_ = 	snop  }
0x59: {  	[tilespmem:s21], [sflag:$0x1] =	stream.indirect_vreg.gather [hbm4b:s1+s3], $0x80, v3, vm0, $0xb8;
	[tilespmem:$0x8080] =	vst v63  }
0x5a: {  	v3 =	vld [tilespmem:$0x70];
	_ =	sdelay $0x4  }
0x5b: {  	v63 =	vshll.u32 v3, $0x1  }
0x5c: {  	v3 =	vand.u32 $0x7, v3;
	v4 =	vand.u32 $0xFFFFFFF0, v63  }
0x5d: {  	v3 =	vor.u32 v3, v4  }
0x5e: {  	v4 =	vperm.xlane v3, v0;
	_ =	sdelay $0x1  }
0x5f: {  	v3 =	vperm.xlane v3, v2;
	v4 =	vadd.s32 v1, v4;
	_ =	sdelay $0x1  }
0x60: {  	v3 =	vadd.s32 v1, v3;
	_ =	sdelay $0x2  }
0x61: {  	[tilespmem:s22], [sflag:$0x1] =	stream.indirect_vreg.gather [hbm4b:s1+s3], $0x80, v4, vm0, $0xb8;
	[tilespmem:$0x8080] =	vst v63  }
0x62: {  	_ = 	snop  }
0x63: {  	[tilespmem:s23], [sflag:$0x1] =	stream.indirect_vreg.gather [hbm4b:s1+s3], $0x80, v3, vm0, $0xb8;
	[tilespmem:$0x8080] =	vst v63  }
0x64: {  	_ =	swait.ge [sflag:s24], $0x8000  }
0x65: {  	p0 =	sne.s32 s6, $0x1;
	[sflag:s24] =	ssyncset.done $0x0  }
.Ltmp0:
0x66: {  	[sflag:s24] =	ssyncadd.s32 $0xFFFF8000;
	(pc) =	sbr.rel @p0 .LBB2_1-.Ltmp0, $4  }
0x67: {  	[hbm4b:s5+s3] =	stream.linear.scatter [tilespmem:s8], [sflag:$0x2], $0x8000, $0x38;
	[tilespmem:$0x8080] =	vst v63  }
0x68: {  	_ =	swait.ge [sflag:s7], $0x8000  }
0x69: {  	[sflag:s7] =	ssyncset.done $0x0  }
0x6a: {  	s6 =	sadd.s32 $0xFFFFFFFF, s6;
	[sflag:s7] =	ssyncadd.s32 $0xFFFF8000  }
0x6b: {  	_ =	sfence.sel $0x180000  }
0x6c: {  	[bflag:$0x0] =	sbarrier.arrive $0xFFFF  }
0x6d: {  	p0 =	sne.s32 s2, $0x0;
	_ =	strace $0x90000047  }
0x6e: {  	s0 =	sadd.s32 @!p0 $0x100000, s0;
	[bflag:$0x2] =	sbarrier.arrive $0xFFFF  }
0x6f: {  	[sflag:s0] =	ssyncadd.tile.s32 @!p0 $0x1;
	_ =	shalt  }
.Lfunc_end2:
_tile_overlayer_lowered:
.L_overlay_start_2:
0x70: {  	(tag) =	ssettag $0x2  }
0x71: {  	s0 =	rddreg [dreg:$0x0];
	s2 =	stileid.u32  }
0x72: {  	s1 =	rddreg [dreg:$0x1];
	p0 =	sne.s32 s2, $0x0  }
0x73: {  	s3 =	rddreg [dreg:$0x2];
	[bflag:$0x3] =	sbarrier.arrive $0xFFFF;
	s2 =	simm.s32 @!p0 $0x1C02  }
0x74: {  	[timem:s3], [sflag:s2] =	dma.local @!p0 [hbm:s0], s1  }
0x75: {  	s0 =	simm.s32 @!p0 $0x2  }
0x76: {  	_ =	swait.ge @!p0 [sflag:s0], s1  }
0x77: {  	s1 =	ssub.s32 @!p0 $0x0, s1;
	[sflag:s0] =	ssyncset.done @!p0 $0x0  }
0x78: {  	[sflag:s0] =	ssyncadd.s32 @!p0 s1  }
0x79: {  	[bflag:$0x3] =	sbarrier.arrive $0xFFFF  }
0x7a: {  	_ =	shalt  }

</sc_bundles>
